<compile_context>
chip_gen: v7x
topology: tpu7x:2x2x1
jax: 0.10.2.dev20260603
libtpu: 0.0.44.dev20260713+nightly
codegen_flags: <defaults>
</compile_context>

<pallas_src>
import functools

import jax
import jax.numpy as jnp
from jax import lax
from jax.experimental import pallas as pl
from jax.experimental.pallas import tpu as pltpu
from jax.experimental.pallas import tpu_sc as plsc

N_NODES = 10000
N_EDGES = 320000
D = 128

NC = 2
NT = 16
L = 128

IB = 32
NB = 5
CH = IB * NB
EDGES_PER_TILE = CH * L
EP = EDGES_PER_TILE * NT

ACC_ROWS = 10240
ZR = ACC_ROWS // NT


def _body(x_hbm, src_hbm, dst_hbm, zeros_hbm, out_hbm,
          acc, src_v, dst_v, rows_v, sem):
    c = lax.axis_index("c")
    s = lax.axis_index("s")

    pltpu.sync_copy(zeros_hbm, acc.at[pl.ds(s * ZR, ZR)])
    plsc.subcore_barrier()

    def block(b, carry):
        pltpu.sync_copy(src_hbm.at[c, s, pl.ds(b * IB, IB)], src_v)
        pltpu.sync_copy(dst_hbm.at[c, s, pl.ds(b * IB, IB)], dst_v)

        def chunk(j, inner):
            pltpu.async_copy(x_hbm.at[src_v.at[j]], rows_v, sem).wait()
            pltpu.sync_copy(rows_v, acc.at[dst_v.at[j]], add=True)
            return inner

        lax.fori_loop(0, IB, chunk, 0)
        return carry

    lax.fori_loop(0, NB, block, 0)
    plsc.subcore_barrier()

    pltpu.sync_copy(acc.at[pl.ds(s * ZR, ZR)],
                    out_hbm.at[c, pl.ds(s * ZR, ZR)])


@jax.jit
def _run(x, src_idx, dst_idx, zeros):
    mesh = plsc.VectorSubcoreMesh(core_axis_name="c", subcore_axis_name="s")
    f = pl.kernel(
        _body,
        out_type=jax.ShapeDtypeStruct((NC, ACC_ROWS, D), jnp.float32),
        mesh=mesh,
        scratch_types=[
            pltpu.VMEM_SHARED((ACC_ROWS, D), jnp.float32),
            pltpu.VMEM((IB, L), jnp.int32),
            pltpu.VMEM((IB, L), jnp.int32),
            pltpu.VMEM((L, D), jnp.float32),
            pltpu.SemaphoreType.DMA,
        ],
        compiler_params=pltpu.CompilerParams(use_tc_tiling_on_sc=False),
    )
    return f(x, src_idx, dst_idx, zeros)


def _prep_indices(adj, dummy_row):
    dst = adj[0].astype(jnp.int32)
    src = adj[1].astype(jnp.int32)
    pad = EP - N_EDGES
    src = jnp.concatenate([src, jnp.zeros((pad,), jnp.int32)])
    dst = jnp.concatenate([dst, jnp.full((pad,), dummy_row, jnp.int32)])
    return src.reshape(NT, CH, L), dst.reshape(NT, CH, L)


def kernel(x, adj_t, adj_t2):
    s1, d1 = _prep_indices(adj_t, N_NODES)
    s2, d2 = _prep_indices(adj_t2, N_NODES)
    src_idx = jnp.stack([s1, s2])
    dst_idx = jnp.stack([d1, d2])
    zeros = jnp.zeros((ZR, D), jnp.float32)
    out = _run(x, src_idx, dst_idx, zeros)
    return jnp.concatenate([out[0, :N_NODES], out[1, :N_NODES]], axis=1)

# --- scband reference (transcript-rebuilt; emitter-appended) ---
"""Pipeline reference for scband-het-conv-31920196944464 (READ-ONLY COPY).

The authoritative reference and input builder live on the scoring server;
editing this copy changes nothing except your own understanding.
"""

import jax, jax.numpy as jnp
import numpy as np

N_NODES = 10000
N_EDGES = 320000
D_FEAT = 128


def setup_inputs(seed: int = 0) -> dict:
    key = jax.random.key(seed)
    k1, k2, k3 = jax.random.split(key, 3)
    x = jax.random.normal(k1, (N_NODES, D_FEAT), dtype=jnp.float32)
    adj_t = jax.random.randint(k2, (2, N_EDGES), 0, N_NODES, dtype=jnp.int64)
    adj_t2 = jax.random.randint(k3, (2, N_EDGES), 0, N_NODES, dtype=jnp.int64)
    return {"x": x, "adj_t": adj_t, "adj_t2": adj_t2}


def _spmm(edge_index, x, num_nodes):
    # Sparse adjacency (COO, implicit weight 1.0) times dense x:
    # out[dst] = sum over edges (dst, src) of x[src]
    dst = edge_index[0]
    src = edge_index[1]
    msgs = jnp.take(x, src, axis=0)          # gather
    return jax.ops.segment_sum(msgs, dst, num_segments=num_nodes)  # scatter-add


def reference(x, adj_t, adj_t2):
    n = x.shape[0]
    x1 = _spmm(adj_t, x, n)
    x2 = _spmm(adj_t2, x, n)
    return jnp.concatenate([x1, x2], axis=1)

if __name__ == "__main__":
    import jax
    _d = setup_inputs()
    print(jax.jit(kernel)(*tuple(_d.values())))

</pallas_src>

<mosaic_0001>
#map = affine_map<(d0, d1) -> (0, 0)>
#map1 = affine_map<(d0, d1) -> (0, 0, 0, 0)>
#map2 = affine_map<(d0, d1) -> (0, 0, 0)>
module attributes {stable_mosaic.version = 14 : i64} {
  func.func @_body(%arg0: i32, %arg1: i32, %arg2: memref<10000x128xf32, #tpu.memory_space<hbm>>, %arg3: memref<2x16x160x128xi32, #tpu.memory_space<hbm>>, %arg4: memref<2x16x160x128xi32, #tpu.memory_space<hbm>>, %arg5: memref<640x128xf32, #tpu.memory_space<hbm>>, %arg6: memref<2x10240x128xf32, #tpu.memory_space<hbm>>, %arg7: memref<10240x128xf32, #tpu.memory_space<vmem_shared>>, %arg8: memref<32x128xi32, #tpu.memory_space<vmem>>, %arg9: memref<32x128xi32, #tpu.memory_space<vmem>>, %arg10: memref<128x128xf32, #tpu.memory_space<vmem>>, %arg11: memref<!tpu.dma_semaphore, #tpu.memory_space<semaphore_mem>>) attributes {dimension_semantics = [#tpu.dimension_semantics<core_parallel>, #tpu.dimension_semantics<subcore_parallel>], iteration_bounds = array<i64: 2, 16>, scalar_prefetch = 0 : i64, scratch_operands = 5 : i64, tpu.core_type = #tpu.core_type<sc_vector_subcore>, window_params = [{transform_indices = #map}, {transform_indices = #map1}, {transform_indices = #map1}, {transform_indices = #map}, {transform_indices = #map2}]} {
    %mul3A = arith.constant 640 : i32
    %mul3A_0 = arith.muli %arg1, %mul3A : i32
    "tpu.region"() ({
      %run_scoped3A = tpu.sem_alloc : memref<!tpu.dma_semaphore, #tpu.memory_space<semaphore_mem>>
      %dma_start3A = arith.constant 0 : i32
      %dma_start3A_11 = tpu.memref_slice %arg7[%mul3A_0, %dma_start3A] : memref<10240x128xf32, #tpu.memory_space<vmem_shared>> -> memref<640x128xf32, #tpu.memory_space<vmem_shared>>
      tpu.enqueue_dma source(%arg5 : memref<640x128xf32, #tpu.memory_space<hbm>>) target(%dma_start3A_11 : memref<640x128xf32, #tpu.memory_space<vmem_shared>>) target_semaphore(%run_scoped3A : memref<!tpu.dma_semaphore, #tpu.memory_space<semaphore_mem>>)
      %dma_wait3A = arith.constant 0 : i32
      %dma_wait3A_12 = tpu.memref_slice %arg7[%mul3A_0, %dma_wait3A] : memref<10240x128xf32, #tpu.memory_space<vmem_shared>> -> memref<640x128xf32, #tpu.memory_space<vmem_shared>>
      tpu.wait_dma2 semaphore(%run_scoped3A : memref<!tpu.dma_semaphore, #tpu.memory_space<semaphore_mem>>) src(%arg5 : memref<640x128xf32, #tpu.memory_space<hbm>>) dst(%dma_wait3A_12 : memref<640x128xf32, #tpu.memory_space<vmem_shared>>)
      tpu.yield
    }) : () -> ()
    %barrier3A = arith.constant 0 : index
    tpu.barrier barrier_id(%barrier3A)
    %scan3A = arith.constant 0 : i32
    %scan3A_1 = arith.constant 0 : i32
    %scan3A_2 = arith.constant 5 : i32
    %scan3A_3 = arith.addi %scan3A_1, %scan3A_2 : i32
    %scan3A_4 = arith.constant 1 : i32
    scf.for %scan3A_11 = %scan3A_1 to %scan3A_3 step %scan3A_4  : i32 {
      %mul3A_12 = arith.constant 32 : i32
      %mul3A_13 = arith.muli %scan3A_11, %mul3A_12 : i32
      "tpu.region"() ({
        %run_scoped3A = tpu.sem_alloc : memref<!tpu.dma_semaphore, #tpu.memory_space<semaphore_mem>>
        %dma_start3A = arith.constant 0 : i32
        %dma_start3A_22 = tpu.memref_slice %arg3[%arg0, %arg1, %mul3A_13, %dma_start3A] : memref<2x16x160x128xi32, #tpu.memory_space<hbm>> -> memref<1x1x32x128xi32, #tpu.memory_space<hbm>>
        %dma_start3A_23 = tpu.memref_squeeze %dma_start3A_22 : memref<1x1x32x128xi32, #tpu.memory_space<hbm>> -> memref<32x128xi32, #tpu.memory_space<hbm>>
        %dma_start3A_24 = arith.constant 0 : i32
        %dma_start3A_25 = tpu.memref_slice %arg3[%arg0, %arg1, %mul3A_13, %dma_start3A_24] : memref<2x16x160x128xi32, #tpu.memory_space<hbm>> -> memref<1x1x32x128xi32, #tpu.memory_space<hbm>>
        %dma_start3A_26 = tpu.memref_squeeze %dma_start3A_25 : memref<1x1x32x128xi32, #tpu.memory_space<hbm>> -> memref<32x128xi32, #tpu.memory_space<hbm>>
        tpu.enqueue_dma source(%dma_start3A_26 : memref<32x128xi32, #tpu.memory_space<hbm>>) target(%arg8 : memref<32x128xi32, #tpu.memory_space<vmem>>) target_semaphore(%run_scoped3A : memref<!tpu.dma_semaphore, #tpu.memory_space<semaphore_mem>>)
        %dma_wait3A = arith.constant 0 : i32
        %dma_wait3A_27 = tpu.memref_slice %arg3[%arg0, %arg1, %mul3A_13, %dma_wait3A] : memref<2x16x160x128xi32, #tpu.memory_space<hbm>> -> memref<1x1x32x128xi32, #tpu.memory_space<hbm>>
        %dma_wait3A_28 = tpu.memref_squeeze %dma_wait3A_27 : memref<1x1x32x128xi32, #tpu.memory_space<hbm>> -> memref<32x128xi32, #tpu.memory_space<hbm>>
        %dma_wait3A_29 = arith.constant 0 : i32
        %dma_wait3A_30 = tpu.memref_slice %arg3[%arg0, %arg1, %mul3A_13, %dma_wait3A_29] : memref<2x16x160x128xi32, #tpu.memory_space<hbm>> -> memref<1x1x32x128xi32, #tpu.memory_space<hbm>>
        %dma_wait3A_31 = tpu.memref_squeeze %dma_wait3A_30 : memref<1x1x32x128xi32, #tpu.memory_space<hbm>> -> memref<32x128xi32, #tpu.memory_space<hbm>>
        tpu.wait_dma2 semaphore(%run_scoped3A : memref<!tpu.dma_semaphore, #tpu.memory_space<semaphore_mem>>) src(%dma_wait3A_31 : memref<32x128xi32, #tpu.memory_space<hbm>>) dst(%arg8 : memref<32x128xi32, #tpu.memory_space<vmem>>)
        tpu.yield
      }) : () -> ()
      %mul3A_14 = arith.constant 32 : i32
      %mul3A_15 = arith.muli %scan3A_11, %mul3A_14 : i32
      "tpu.region"() ({
        %run_scoped3A = tpu.sem_alloc : memref<!tpu.dma_semaphore, #tpu.memory_space<semaphore_mem>>
        %dma_start3A = arith.constant 0 : i32
        %dma_start3A_22 = tpu.memref_slice %arg4[%arg0, %arg1, %mul3A_15, %dma_start3A] : memref<2x16x160x128xi32, #tpu.memory_space<hbm>> -> memref<1x1x32x128xi32, #tpu.memory_space<hbm>>
        %dma_start3A_23 = tpu.memref_squeeze %dma_start3A_22 : memref<1x1x32x128xi32, #tpu.memory_space<hbm>> -> memref<32x128xi32, #tpu.memory_space<hbm>>
        %dma_start3A_24 = arith.constant 0 : i32
        %dma_start3A_25 = tpu.memref_slice %arg4[%arg0, %arg1, %mul3A_15, %dma_start3A_24] : memref<2x16x160x128xi32, #tpu.memory_space<hbm>> -> memref<1x1x32x128xi32, #tpu.memory_space<hbm>>
        %dma_start3A_26 = tpu.memref_squeeze %dma_start3A_25 : memref<1x1x32x128xi32, #tpu.memory_space<hbm>> -> memref<32x128xi32, #tpu.memory_space<hbm>>
        tpu.enqueue_dma source(%dma_start3A_26 : memref<32x128xi32, #tpu.memory_space<hbm>>) target(%arg9 : memref<32x128xi32, #tpu.memory_space<vmem>>) target_semaphore(%run_scoped3A : memref<!tpu.dma_semaphore, #tpu.memory_space<semaphore_mem>>)
        %dma_wait3A = arith.constant 0 : i32
        %dma_wait3A_27 = tpu.memref_slice %arg4[%arg0, %arg1, %mul3A_15, %dma_wait3A] : memref<2x16x160x128xi32, #tpu.memory_space<hbm>> -> memref<1x1x32x128xi32, #tpu.memory_space<hbm>>
        %dma_wait3A_28 = tpu.memref_squeeze %dma_wait3A_27 : memref<1x1x32x128xi32, #tpu.memory_space<hbm>> -> memref<32x128xi32, #tpu.memory_space<hbm>>
        %dma_wait3A_29 = arith.constant 0 : i32
        %dma_wait3A_30 = tpu.memref_slice %arg4[%arg0, %arg1, %mul3A_15, %dma_wait3A_29] : memref<2x16x160x128xi32, #tpu.memory_space<hbm>> -> memref<1x1x32x128xi32, #tpu.memory_space<hbm>>
        %dma_wait3A_31 = tpu.memref_squeeze %dma_wait3A_30 : memref<1x1x32x128xi32, #tpu.memory_space<hbm>> -> memref<32x128xi32, #tpu.memory_space<hbm>>
        tpu.wait_dma2 semaphore(%run_scoped3A : memref<!tpu.dma_semaphore, #tpu.memory_space<semaphore_mem>>) src(%dma_wait3A_31 : memref<32x128xi32, #tpu.memory_space<hbm>>) dst(%arg9 : memref<32x128xi32, #tpu.memory_space<vmem>>)
        tpu.yield
      }) : () -> ()
      %scan3A_16 = arith.constant 0 : i32
      %scan3A_17 = arith.constant 0 : i32
      %scan3A_18 = arith.constant 32 : i32
      %scan3A_19 = arith.addi %scan3A_17, %scan3A_18 : i32
      %scan3A_20 = arith.constant 1 : i32
      scf.for %scan3A_22 = %scan3A_17 to %scan3A_19 step %scan3A_20  : i32 {
        %dma_start3A = arith.constant 0 : i32
        %dma_start3A_23 = tpu.memref_slice %arg8[%scan3A_22, %dma_start3A] : memref<32x128xi32, #tpu.memory_space<vmem>> -> memref<1x128xi32, #tpu.memory_space<vmem>>
        %dma_start3A_24 = tpu.memref_squeeze %dma_start3A_23 : memref<1x128xi32, #tpu.memory_space<vmem>> -> memref<128xi32, #tpu.memory_space<vmem>>
        %dma_start3A_25 = arith.constant 0 : i32
        %dma_start3A_26 = arith.constant 0 : i32
        %dma_start3A_27 = tpu.memref_slice %arg2[%dma_start3A_25, %dma_start3A_26] : memref<10000x128xf32, #tpu.memory_space<hbm>> -> memref<10000x128xf32, #tpu.memory_space<hbm>>
        tpu.enqueue_indirect_dma source(%dma_start3A_27 : memref<10000x128xf32, #tpu.memory_space<hbm>>) target(%arg10 : memref<128x128xf32, #tpu.memory_space<vmem>>) offsets(%dma_start3A_24 : memref<128xi32, #tpu.memory_space<vmem>>) semaphore(%arg11 : memref<!tpu.dma_semaphore, #tpu.memory_space<semaphore_mem>>)
        %dma_wait3A = arith.constant 0 : i32
        %dma_wait3A_28 = tpu.memref_slice %arg8[%scan3A_22, %dma_wait3A] : memref<32x128xi32, #tpu.memory_space<vmem>> -> memref<1x128xi32, #tpu.memory_space<vmem>>
        %dma_wait3A_29 = tpu.memref_squeeze %dma_wait3A_28 : memref<1x128xi32, #tpu.memory_space<vmem>> -> memref<128xi32, #tpu.memory_space<vmem>>
        %dma_wait3A_30 = arith.constant 0 : i32
        %dma_wait3A_31 = arith.constant 0 : i32
        %dma_wait3A_32 = tpu.memref_slice %arg2[%dma_wait3A_30, %dma_wait3A_31] : memref<10000x128xf32, #tpu.memory_space<hbm>> -> memref<10000x128xf32, #tpu.memory_space<hbm>>
        tpu.wait_indirect_dma semaphore(%arg11 : memref<!tpu.dma_semaphore, #tpu.memory_space<semaphore_mem>>) src(%dma_wait3A_32 : memref<10000x128xf32, #tpu.memory_space<hbm>>) dst(%arg10 : memref<128x128xf32, #tpu.memory_space<vmem>>)
        "tpu.region"() ({
          %run_scoped3A = tpu.sem_alloc : memref<!tpu.dma_semaphore, #tpu.memory_space<semaphore_mem>>
          %dma_start3A_33 = arith.constant 0 : i32
          %dma_start3A_34 = tpu.memref_slice %arg9[%scan3A_22, %dma_start3A_33] : memref<32x128xi32, #tpu.memory_space<vmem>> -> memref<1x128xi32, #tpu.memory_space<vmem>>
          %dma_start3A_35 = tpu.memref_squeeze %dma_start3A_34 : memref<1x128xi32, #tpu.memory_space<vmem>> -> memref<128xi32, #tpu.memory_space<vmem>>
          %dma_start3A_36 = arith.constant 0 : i32
          %dma_start3A_37 = arith.constant 0 : i32
          %dma_start3A_38 = tpu.memref_slice %arg7[%dma_start3A_36, %dma_start3A_37] : memref<10240x128xf32, #tpu.memory_space<vmem_shared>> -> memref<10240x128xf32, #tpu.memory_space<vmem_shared>>
          tpu.enqueue_indirect_dma source(%arg10 : memref<128x128xf32, #tpu.memory_space<vmem>>) target(%dma_start3A_38 : memref<10240x128xf32, #tpu.memory_space<vmem_shared>>) offsets(%dma_start3A_35 : memref<128xi32, #tpu.memory_space<vmem>>) semaphore(%run_scoped3A : memref<!tpu.dma_semaphore, #tpu.memory_space<semaphore_mem>>) {add = true}
          %dma_wait3A_39 = arith.constant 0 : i32
          %dma_wait3A_40 = tpu.memref_slice %arg9[%scan3A_22, %dma_wait3A_39] : memref<32x128xi32, #tpu.memory_space<vmem>> -> memref<1x128xi32, #tpu.memory_space<vmem>>
          %dma_wait3A_41 = tpu.memref_squeeze %dma_wait3A_40 : memref<1x128xi32, #tpu.memory_space<vmem>> -> memref<128xi32, #tpu.memory_space<vmem>>
          %dma_wait3A_42 = arith.constant 0 : i32
          %dma_wait3A_43 = arith.constant 0 : i32
          %dma_wait3A_44 = tpu.memref_slice %arg7[%dma_wait3A_42, %dma_wait3A_43] : memref<10240x128xf32, #tpu.memory_space<vmem_shared>> -> memref<10240x128xf32, #tpu.memory_space<vmem_shared>>
          tpu.wait_indirect_dma semaphore(%run_scoped3A : memref<!tpu.dma_semaphore, #tpu.memory_space<semaphore_mem>>) src(%arg10 : memref<128x128xf32, #tpu.memory_space<vmem>>) dst(%dma_wait3A_44 : memref<10240x128xf32, #tpu.memory_space<vmem_shared>>)
          tpu.yield
        }) : () -> ()
      }
      %scan3A_21 = arith.constant 32 : i32
    }
    %scan3A_5 = arith.constant 5 : i32
    %barrier3A_6 = arith.constant 0 : index
    tpu.barrier barrier_id(%barrier3A_6)
    %mul3A_7 = arith.constant 640 : i32
    %mul3A_8 = arith.muli %arg1, %mul3A_7 : i32
    %mul3A_9 = arith.constant 640 : i32
    %mul3A_10 = arith.muli %arg1, %mul3A_9 : i32
    "tpu.region"() ({
      %run_scoped3A = tpu.sem_alloc : memref<!tpu.dma_semaphore, #tpu.memory_space<semaphore_mem>>
      %dma_start3A = arith.constant 0 : i32
      %dma_start3A_11 = tpu.memref_slice %arg6[%arg0, %mul3A_10, %dma_start3A] : memref<2x10240x128xf32, #tpu.memory_space<hbm>> -> memref<1x640x128xf32, #tpu.memory_space<hbm>>
      %dma_start3A_12 = tpu.memref_squeeze %dma_start3A_11 : memref<1x640x128xf32, #tpu.memory_space<hbm>> -> memref<640x128xf32, #tpu.memory_space<hbm>>
      %dma_start3A_13 = arith.constant 0 : i32
      %dma_start3A_14 = tpu.memref_slice %arg7[%mul3A_8, %dma_start3A_13] : memref<10240x128xf32, #tpu.memory_space<vmem_shared>> -> memref<640x128xf32, #tpu.memory_space<vmem_shared>>
      tpu.enqueue_dma source(%dma_start3A_14 : memref<640x128xf32, #tpu.memory_space<vmem_shared>>) target(%dma_start3A_12 : memref<640x128xf32, #tpu.memory_space<hbm>>) target_semaphore(%run_scoped3A : memref<!tpu.dma_semaphore, #tpu.memory_space<semaphore_mem>>)
      %dma_wait3A = arith.constant 0 : i32
      %dma_wait3A_15 = tpu.memref_slice %arg6[%arg0, %mul3A_10, %dma_wait3A] : memref<2x10240x128xf32, #tpu.memory_space<hbm>> -> memref<1x640x128xf32, #tpu.memory_space<hbm>>
      %dma_wait3A_16 = tpu.memref_squeeze %dma_wait3A_15 : memref<1x640x128xf32, #tpu.memory_space<hbm>> -> memref<640x128xf32, #tpu.memory_space<hbm>>
      %dma_wait3A_17 = arith.constant 0 : i32
      %dma_wait3A_18 = tpu.memref_slice %arg7[%mul3A_8, %dma_wait3A_17] : memref<10240x128xf32, #tpu.memory_space<vmem_shared>> -> memref<640x128xf32, #tpu.memory_space<vmem_shared>>
      tpu.wait_dma2 semaphore(%run_scoped3A : memref<!tpu.dma_semaphore, #tpu.memory_space<semaphore_mem>>) src(%dma_wait3A_18 : memref<640x128xf32, #tpu.memory_space<vmem_shared>>) dst(%dma_wait3A_16 : memref<640x128xf32, #tpu.memory_space<hbm>>)
      tpu.yield
    }) : () -> ()
    return
  }
}

</mosaic_0001>

<sc_bundles>
// kernel: _run.3.cloned.1.call-start
scs
__scs_entry_jumppad:
0x0: {  	(pc) =	sbr.rel $0x88, $3  }
0x1: {  	(tag) =	ssettag $0x0;
	lr =	simm.s32 $0x1  }
0x2: {  	[smem:$0x3F9D] =	sst lr;
	_ =	strace $0xD0000000  }
0x3: {  	_ = 	snop  }
0x4: {  	_ = 	snop  }
0x5: {  	_ = 	snop  }
0x6: {  	_ = 	snop  }
0x7: {  	_ = 	snop  }
__scs_overlays_trampoline_lowered:
0x8: {  	[smem:$0x3FAC] =	sst s0  }
0x9: {  	[smem:$0x3FAD] =	sst s1  }
0xa: {  	[smem:$0x3FAE] =	sst s2  }
0xb: {  	[smem:$0x3FAF] =	sst s3  }
0xc: {  	[smem:$0x3FB0] =	sst s4  }
0xd: {  	[smem:$0x3FB1] =	sst s5  }
0xe: {  	[smem:$0x3FB2] =	sst s6  }
0xf: {  	[smem:$0x3FB3] =	sst s7  }
0x10: {  	[smem:$0x3FB4] =	sst s8  }
0x11: {  	[smem:$0x3FB5] =	sst s9;
	s0 =	simm.s32 @!p0 $0x0  }
0x12: {  	s1 =	sld [smem:$0x3F9B];
	s0 =	simm.s32 @p0 $0x1  }
0x13: {  	[smem:$0x3FB6] =	sst s0;
	s0 =	simm.s32 @!p1 $0x0  }
0x14: {  	s2 =	sld [smem:$0x3F9A];
	s0 =	simm.s32 @p1 $0x1  }
0x15: {  	[smem:$0x3FB7] =	sst s0;
	s0 =	simm.s32 @!p2 $0x0  }
0x16: {  	s3 =	sld [smem:$0x3FDB];
	s0 =	simm.s32 @p2 $0x1  }
0x17: {  	s4 =	simm.s32 $0x1BF5;
	[smem:$0x3FB9] =	sst s0  }
0x18: {  	s0 =	sld [smem:$0x3F9C];
	_ =	swait.ge [sflag:s4], $0x0  }
0x19: {  	s7 =	sld [smem:$0x3F9D]  }
0x1a: {  	s8 =	sadd.s32 $0xFFFFE003, lr  }
0x1b: {  	s9 =	sadd.s32 $0xFFFFFEF7, lr;
	s5 =	simm.s32 $0xFFFFFFFF;
	p2 =	slt.u32 s8, $0xFFFFF086  }
0x1c: {  	p1 =	slt.u32 s9, $0xF7A;
	s5 =	simm.s32 @!p2 $0x0  }
0x1d: {  	s5 =	simm.s32 @p1 $0x1;
	p0 =	seq.s32 s7, s2  }
0x1e: {  	s7 =	smul.u32 @!p0 $0xF7A, s2;
	p2 =	seq.s32 @!p0 s5, $0x0  }
0x1f: {  	s9 =	smul.u32 $0xF7A, s1;
	s8 =	simm.s32 @!p0 $0x1BF5;
	p2 =	por !p2, p0  }
0x20: {  	[sflag:s8] =	ssyncset.s32 @!p0 $0xFFFFF086;
	s6 =	sadd.s32 @!p0 s3, s7;
	s7 =	simm.s32 @!p0 $0x108  }
0x21: {  	s3 =	sadd.s32 s3, s9;
	s6 =	sadd.s32 @!p0 $0x88, s6;
	s7 =	simm.s32 @p2 $0x1082  }
0x22: {  	[simem:s7], [sflag:s8] =	dma.local @!p0 [hbm:s6], $0xF7A  }
0x23: {  	s9 =	sor.u32 $0xD0000000, s2;
	s6 =	simm.s32 $0x108;
	_ =	swait.ge @!p0 [sflag:s8], $0x0  }
0x24: {  	s3 =	sadd.s32 $0x88, s3;
	s6 =	simm.s32 @!p1 $0x1082;
	[sflag:s4] =	ssyncset.s32 $0xFFFFF086  }
0x25: {  	[simem:s6], [sflag:s4] =	dma.local [hbm:s3], $0xF7A  }
0x26: {  	[smem:$0x3F9D] =	sst s1;
	(tag) =	ssettag s2;
	_ =	strace s9  }
0x27: {  	s1 =	sld [smem:$0x3FAD]  }
0x28: {  	s2 =	sld [smem:$0x3FAE]  }
0x29: {  	s4 =	sld [smem:$0x3FB0]  }
0x2a: {  	p0 =	seq.s32 s5, $0x0;
	s5 =	sld [smem:$0x3FB1]  }
0x2b: {  	s6 =	sld [smem:$0x3FB2]  }
0x2c: {  	s7 =	sld [smem:$0x3FB3]  }
0x2d: {  	s3 =	simm.s32 $0x108;
	s8 =	sld [smem:$0x3FB4]  }
0x2e: {  	s3 =	simm.s32 @!p0 $0x1082;
	s9 =	sld [smem:$0x3FB5]  }
0x2f: {  	lr =	sadd.s32 s0, s3;
	s0 =	sld [smem:$0x3FAC]  }
0x30: {  	s3 =	sld [smem:$0x3FAF]  }
0x31: {  	[smem:$0x3FB8] =	sst s10  }
0x32: {  	s10 =	sld [smem:$0x3FB6];
	_ =	sdelay $0x3  }
0x33: {  	p0 =	seq.s32 s10, $0x1;
	s10 =	sld [smem:$0x3FB8];
	_ =	sdelay $0x3  }
0x34: {  	[smem:$0x3FB8] =	sst s10  }
0x35: {  	s10 =	sld [smem:$0x3FB7];
	_ =	sdelay $0x3  }
0x36: {  	p1 =	seq.s32 s10, $0x1;
	s10 =	sld [smem:$0x3FB8];
	_ =	sdelay $0x3  }
0x37: {  	[smem:$0x3FB8] =	sst s10  }
0x38: {  	s10 =	sld [smem:$0x3FB9]  }
0x39: {  	_ = 	snop;
	(pc) =	sbr.ind lr, $3  }
0x3a: {  	_ = 	snop  }
0x3b: {  	_ = 	snop  }
0x3c: {  	p2 =	seq.s32 s10, $0x1;
	s10 =	sld [smem:$0x3FB8]  }
0x3d: {  	_ =	shalt  }
0x3e: {  	_ =	shalt  }
0x3f: {  	_ =	shalt  }
0x40: {  	_ =	shalt  }
0x41: {  	_ =	shalt  }
0x42: {  	_ =	shalt  }
0x43: {  	_ =	shalt  }
0x44: {  	_ =	shalt  }
0x45: {  	_ =	shalt  }
0x46: {  	_ =	shalt  }
0x47: {  	_ =	shalt  }
0x48: {  	_ =	shalt  }
0x49: {  	_ =	shalt  }
0x4a: {  	_ =	shalt  }
0x4b: {  	_ =	shalt  }
0x4c: {  	_ =	shalt  }
0x4d: {  	_ =	shalt  }
0x4e: {  	_ =	shalt  }
0x4f: {  	_ =	shalt  }
0x50: {  	_ =	shalt  }
0x51: {  	_ =	shalt  }
0x52: {  	_ =	shalt  }
0x53: {  	_ =	shalt  }
0x54: {  	_ =	shalt  }
0x55: {  	_ =	shalt  }
0x56: {  	_ =	shalt  }
0x57: {  	_ =	shalt  }
0x58: {  	_ =	shalt  }
0x59: {  	_ =	shalt  }
0x5a: {  	_ =	shalt  }
0x5b: {  	_ =	shalt  }
0x5c: {  	_ =	shalt  }
0x5d: {  	_ =	shalt  }
0x5e: {  	_ =	shalt  }
0x5f: {  	_ =	shalt  }
0x60: {  	_ =	shalt  }
0x61: {  	_ =	shalt  }
0x62: {  	_ =	shalt  }
0x63: {  	_ =	shalt  }
0x64: {  	_ =	shalt  }
0x65: {  	_ =	shalt  }
0x66: {  	_ =	shalt  }
0x67: {  	_ =	shalt  }
0x68: {  	_ =	shalt  }
0x69: {  	_ =	shalt  }
0x6a: {  	_ =	shalt  }
0x6b: {  	_ =	shalt  }
0x6c: {  	_ =	shalt  }
0x6d: {  	_ =	shalt  }
0x6e: {  	_ =	shalt  }
0x6f: {  	_ =	shalt  }
0x70: {  	_ =	shalt  }
0x71: {  	_ =	shalt  }
0x72: {  	_ =	shalt  }
0x73: {  	_ =	shalt  }
0x74: {  	_ =	shalt  }
0x75: {  	_ =	shalt  }
0x76: {  	_ =	shalt  }
0x77: {  	_ =	shalt  }
0x78: {  	_ =	shalt  }
0x79: {  	_ =	shalt  }
0x7a: {  	_ =	shalt  }
0x7b: {  	_ =	shalt  }
0x7c: {  	_ =	shalt  }
0x7d: {  	_ =	shalt  }
0x7e: {  	_ =	shalt  }
0x7f: {  	_ =	shalt  }
0x80: {  	_ =	shalt  }
0x81: {  	_ =	shalt  }
0x82: {  	_ =	shalt  }
0x83: {  	_ =	shalt  }
0x84: {  	_ =	shalt  }
0x85: {  	_ =	shalt  }
0x86: {  	_ =	shalt  }
0x87: {  	_ =	shalt  }
.Lfunc_end0:
.L_simem_size_0:
called_computation_lowered:
.L_overlay_start_0:
0x88: {  	s2 =	sld [smem:$0x3FD9]  }
0x89: {  	s3 =	sld [smem:$0x3FFE];
	_ =	sdelay $0x1  }
0x8a: {  	s1 =	srdreg.scid  }
0x8b: {  	s0 =	sand.u32 $0x1, s1  }
0x8c: {  	s18 =	sshll.u32 s0, $0xA;
	s2 =	sadd.s32 s3, s2  }
0x8d: {  	s2 =	sadd.s32 s2, s18  }
0x8e: {  	[smem:$0x3FC4] =	sst s2  }
0x8f: {  	_ = 	snop  }
0x90: {  	s2 =	sld [smem:$0x3FC9]  }
0x91: {  	s19 =	sld [smem:$0x3FC8]  }
0x92: {  	s4 =	sld [smem:$0x3FC7]  }
0x93: {  	s5 =	sld [smem:$0x3FC6]  }
0x94: {  	s6 =	sld [smem:$0x3FD0];
	(tm) =	ssettm $0x1  }
0x95: {  	s7 =	sld [smem:$0x3FFB];
	_ =	sdelay $0x3  }
0x96: {  	_ =	strace s7  }
0x97: {  	s7 =	sld [smem:$0x3FFC];
	_ =	sdelay $0x3  }
0x98: {  	_ =	strace s7  }
0x99: {  	s7 =	sld [smem:$0x3FFD];
	_ =	sdelay $0x3  }
0x9a: {  	_ =	strace s7  }
0x9b: {  	_ =	strace $0x8FFFFFFF  }
0x9c: {  	s20 =	sld [smem:$0x3FDB];
	_ =	sdelay $0x1  }
0x9d: {  	s8 =	simm.s32 $_scs_section_size  }
0x9e: {  	s9 =	simm.s32 $_size__tile_overlayer_lowered;
	s10 =	simm.s32 $_tile_overlayer_lowered  }
0x9f: {  	s23 =	simm.s32 $0x1BFF;
	s22 =	sshll.u32 s10, $0x1;
	s7 =	sadd.s32 s8, s20  }
0xa0: {  	s11 =	simm.s32 $0x0;
	s21 =	sshll.u32 s9, $0x1;
	s9 =	sadd.s32 s22, s7  }
0xa1: {  	[timem:s11], [sflag:s23] =	dma.local [hbm:s9], s21  }
0xa2: {  	_ =	swait.ge [sflag:s23], s21  }
0xa3: {  	s8 =	ssub.s32 $0x0, s21;
	[sflag:s23] =	ssyncset.done $0x0  }
0xa4: {  	[sflag:s23] =	ssyncadd.s32 s8;
	_ =	sdelay $0x1  }
0xa5: {  	s24 =	simm.s32 $0x1B8B  }
0xa6: {  	_ =	swait.ge [sflag:s24], $0x1  }
0xa7: {  	[sflag:s24] =	ssyncset.done $0x0  }
0xa8: {  	s25 =	simm.s32 $0x1B8E;
	[sflag:s24] =	ssyncadd.s32 $0xFFFFFFFF  }
0xa9: {  	s26 =	simm.s32 $execute0_lowered;
	[smem:$0x3FD2] =	sst s25  }
0xaa: {  	s8 =	sshll.u32 s26, $0x1;
	_ =	strace $0x80000046;
	[dreg:$0x1] =	wrdreg $0xFFFFFFFF  }
0xab: {  	s28 =	simm.s32 $_size_execute0_lowered;
	s7 =	sadd.s32 s7, s8;
	[dreg:$0x0] =	wrdreg $0x0  }
0xac: {  	s8 =	sshll.u32 s28, $0x1;
	[dreg:$0x2] =	wrdreg s7  }
0xad: {  	[dreg:$0x3] =	wrdreg s8  }
0xae: {  	[dreg:$0x4] =	wrdreg $0xC0  }
0xaf: {  	_ =	task [dreg:s11], $0x5FFFF  }
0xb0: {  	[dreg:$0x1] =	wrdreg $0xFFFFFFFF  }
0xb1: {  	[dreg:$0x0] =	wrdreg $0x60  }
0xb2: {  	[dreg:$0x2] =	wrdreg s2  }
0xb3: {  	[dreg:$0x3] =	wrdreg s19  }
0xb4: {  	[dreg:$0x4] =	wrdreg s4  }
0xb5: {  	[dreg:$0x5] =	wrdreg s5  }
0xb6: {  	[dreg:$0x6] =	wrdreg s6  }
0xb7: {  	[dreg:$0x7] =	wrdreg $0x0  }
0xb8: {  	[dreg:$0x8] =	wrdreg $0x9  }
0xb9: {  	_ =	task.clear_ibuf [dreg:s11], $0x9FFFF;
	_ =	strace $0x90000046  }
0xba: {  	s29 =	simm.s32 $0x9;
	_ =	strace $0x80000048  }
0xbb: {  	_ =	swait.ge [sflag:s29], $0x1  }
0xbc: {  	[sflag:s29] =	ssyncadd.s32 $0xFFFFFFFF  }
0xbd: {  	_ =	strace $0x90000048  }
0xbe: {  	_ =	sfence  }
0xbf: {  	s30 =	sld [smem:$0x0];
	_ =	sdelay $0x2  }
0xc0: {  	s31 =	sshll.u32 s1, $0xD;
	s1 =	sshrl.u32 s1, $0x2  }
0xc1: {  	s3 =	sand.u32 $0x4000, s31;
	s1 =	sadd.s32 s1, s30  }
0xc2: {  	s0 =	sor.u32 s3, s0;
	s1 =	sshll.u32 s1, $0x11  }
0xc3: {  	s0 =	sor.u32 s1, s0  }
0xc4: {  	s0 =	sadd.s32 $0x8F2B, s0  }
0xc5: {  	[sflag:s0] =	ssyncadd.remote.s32 $0x1  }
0xc6: {  	_ =	sfence.sel $0xFFFF  }
0xc7: {  	[dreg:$0x0] =	wrdreg $0xFFFFFFFF;
	(pc) =	sbr.abs _section_cstart, $3  }
0xc8: {  	[dreg:$0x1] =	wrdreg $0xFFFFFFFF  }
0xc9: {  	_ =	task.clear_ibuf [dreg:s11], $0x2FFFF;
	_ =	strace $0x9FFFFFFF  }
0xca: {  	(tm) =	ssettm $0x7FFFFFFF  }
0xcb: {  	_ =	shalt  }
tec
execute0_lowered:
.L_overlay_start_1:
0x0: {  	(tag) =	ssettag $0x1  }
0x1: {  	s0 =	rddreg [dreg:$0x0]  }
0x2: {  	s1 =	rddreg [dreg:$0x1]  }
0x3: {  	s3 =	rddreg [dreg:$0x2]  }
0x4: {  	s5 =	rddreg [dreg:$0x3]  }
0x5: {  	s10 =	rddreg [dreg:$0x4]  }
0x6: {  	s6 =	rddreg [dreg:$0x5]  }
0x7: {  	s7 =	srdreg.scid;
	s4 =	stileid.u32  }
0x8: {  	s2 =	rddreg [dreg:$0x6];
	s17 =	simm.s32 $0x16000;
	s9 =	smul.u32 $0x14000, s4  }
0x9: {  	s18 =	simm.s32 $0x1;
	s8 =	sand.u32 $0x1, s7;
	s30 =	smul.u32 $0x5000, s4  }
0xa: {  	s7 =	simm.s32 $0x0;
	s15 =	sshll.u32 s4, $0x6;
	s12 =	smul.u32 $0x50000, s8  }
0xb: {  	s11 =	ssub.s32 $0x2, s8;
	[smem:$0x7FF] =	sst s7;
	s8 =	smul.u32 $0x140000, s8  }
0xc: {  	s13 =	sshrl.u32 s11, $0x1;
	_ =	strace $0x80000047;
	s14 =	sadd.s32 s9, s6  }
0xd: {  	s11 =	ssub.s32 s11, s13;
	s16 =	sadd.s32 s9, s8;
	s8 =	sor.u32 $0x1C02, s15  }
0xe: {  	s9 =	sadd.s32 s30, s12;
	s12 =	sshrl.u32 s14, $0x3;
	s13 =	simm.s32 $0x2  }
0xf: {  	s14 =	simm.s32 $0x14000;
	s15 =	simm.s32 $0x15000;
	s31 =	sshrl.u32 s16, $0x3  }
0x10: {  	s11 =	smax.u32 s11, $0x1;
	s16 =	simm.s32 $0x80;
	s10 =	sadd.s32 s10, s31  }
.LBB2_1:
0x11: {  	[spmem:s12], [sflag:s8] =	dma.local [hbm:s5], $0x2800  }
0x12: {  	_ =	swait.ge [sflag:s13], $0x2800  }
0x13: {  	[sflag:s13] =	ssyncset.done $0x0  }
0x14: {  	[sflag:s13] =	ssyncadd.s32 $0xFFFFD800  }
0x15: {  	s19 =	simm.s32 $0x0;
	[bflag:$0x0] =	sbarrier.arrive $0xFFFF  }
.LBB2_2:
0x16: {  	s20 =	sshll.u32 s19, $0xC  }
0x17: {  	s20 =	sadd.s32 s20, s9  }
0x18: {  	s20 =	sshrl.u32 s20, $0x3  }
0x19: {  	s22 =	simm.s32 $0x0;
	s21 =	sadd.s32 s1, s20  }
0x1a: {  	[tilespmem:s14], [sflag:$0x2] =	stream.linear.gather [hbm4b:s21+s22], $0x1000, $0x38;
	[tilespmem:$0x1A000] =	vst v63  }
0x1b: {  	_ =	swait.ge [sflag:s13], $0x1000  }
0x1c: {  	[sflag:s13] =	ssyncset.done $0x0  }
0x1d: {  	s20 =	sadd.s32 s3, s20;
	[sflag:s13] =	ssyncadd.s32 $0xFFFFF000  }
0x1e: {  	[tilespmem:s15], [sflag:$0x2] =	stream.linear.gather [hbm4b:s20+s22], $0x1000, $0x38;
	[tilespmem:$0x1A000] =	vst v63  }
0x1f: {  	_ =	swait.ge [sflag:s13], $0x1000  }
0x20: {  	[sflag:s13] =	ssyncset.done $0x0  }
0x21: {  	s30 =	simm.s32 $0x14000;
	[sflag:s13] =	ssyncadd.s32 $0xFFFFF000  }
0x22: {  	[tilespmem:s17], [sflag:$0x1] =	stream.indirect.gather [hbm4b:s0+s16], $0x80, s30, s16, $0xb8;
	[tilespmem:$0x1A000] =	vst v63  }
0x23: {  	_ =	swait.ge [sflag:s18], $0x4000  }
0x24: {  	[sflag:s18] =	ssyncset.done $0x0  }
0x25: {  	s31 =	simm.s32 $0x15000;
	[sflag:s18] =	ssyncadd.s32 $0xFFFFC000  }
0x26: {  	[spmem:s6] =	stream.indirect.scatter.add.f32 [tilespmem:s17], [sflag:$0x2], $0x80, s31, s16, $0xb8;
	[tilespmem:$0x1A000] =	vst v63  }
0x27: {  	_ =	swait.ge [sflag:s13], $0x4000  }
0x28: {  	s21 =	simm.s32 $0x400;
	s20 =	simm.s32 $0x80;
	[sflag:s13] =	ssyncset.done $0x0  }
.LBB2_3:
0x29: {  	s22 =	sadd.s32 $0x14000, s20  }
0x2a: {  	[sflag:s13] =	ssyncadd.s32 $0xFFFFC000;
	s23 =	smov.u32 s21;
	s24 =	sadd.s32 $0x200, s21  }
0x2b: {  	[tilespmem:s17], [sflag:$0x1] =	stream.indirect.gather [hbm4b:s0+s16], $0x80, s22, s16, $0xb8;
	[tilespmem:$0x1A000] =	vst v63  }
0x2c: {  	p0 =	sne.s32 s21, $0x3E00;
	_ =	swait.ge [sflag:s18], $0x4000  }
.Ltmp0:
0x2d: {  	[sflag:s18] =	ssyncset.done $0x0;
	(pc) =	sbr.rel @p0 .LBB2_3-.Ltmp0, $4  }
0x2e: {  	s20 =	sadd.s32 $0x15000, s20;
	[sflag:s18] =	ssyncadd.s32 $0xFFFFC000  }
0x2f: {  	[spmem:s6] =	stream.indirect.scatter.add.f32 [tilespmem:s17], [sflag:$0x2], $0x80, s20, s16, $0xb8;
	[tilespmem:$0x1A000] =	vst v63  }
0x30: {  	_ =	swait.ge [sflag:s13], $0x4000  }
0x31: {  	s21 =	smov.u32 s24;
	s20 =	sshra.s32 s23, $0x2;
	[sflag:s13] =	ssyncset.done $0x0  }
0x32: {  	s21 =	sadd.s32 $0x14000, s20;
	[sflag:s13] =	ssyncadd.s32 $0xFFFFC000  }
0x33: {  	[tilespmem:s17], [sflag:$0x1] =	stream.indirect.gather [hbm4b:s0+s16], $0x80, s21, s16, $0xb8;
	[tilespmem:$0x1A000] =	vst v63  }
0x34: {  	s19 =	sadd.s32 $0x1, s19;
	_ =	swait.ge [sflag:s18], $0x4000  }
0x35: {  	p0 =	sne.s32 s19, $0x5;
	[sflag:s18] =	ssyncset.done $0x0  }
.Ltmp1:
0x36: {  	s31 =	sadd.s32 $0x15000, s20;
	[sflag:s18] =	ssyncadd.s32 $0xFFFFC000;
	(pc) =	sbr.rel @p0 .LBB2_2-.Ltmp1, $4  }
0x37: {  	[spmem:s6] =	stream.indirect.scatter.add.f32 [tilespmem:s17], [sflag:$0x2], $0x80, s31, s16, $0xb8;
	[tilespmem:$0x1A000] =	vst v63  }
0x38: {  	_ =	swait.ge [sflag:s13], $0x4000  }
0x39: {  	[sflag:s13] =	ssyncset.done $0x0  }
0x3a: {  	[sflag:s13] =	ssyncadd.s32 $0xFFFFC000  }
0x3b: {  	s7 =	sadd.s32 $0x1, s7  }
0x3c: {  	p0 =	sne.s32 s7, s11  }
.Ltmp2:
0x3d: {  	[bflag:$0x0] =	sbarrier.arrive $0xFFFF;
	(pc) =	sbr.rel @p0 .LBB2_1-.Ltmp2, $4  }
0x3e: {  	[hbm:s10], [sflag:s8] =	dma.local [spmem:s12], $0x2800  }
0x3f: {  	_ =	swait.ge [sflag:s13], $0x2800  }
0x40: {  	[sflag:s13] =	ssyncset.done $0x0  }
0x41: {  	[sflag:s13] =	ssyncadd.s32 $0xFFFFD800  }
0x42: {  	_ =	sfence.sel $0x180000  }
0x43: {  	[bflag:$0x0] =	sbarrier.arrive $0xFFFF  }
0x44: {  	p0 =	sne.s32 s4, $0x0;
	_ =	strace $0x90000047  }
0x45: {  	s0 =	sadd.s32 @!p0 $0x100000, s2;
	[bflag:$0x2] =	sbarrier.arrive $0xFFFF  }
0x46: {  	[sflag:s0] =	ssyncadd.tile.s32 @!p0 $0x1;
	_ =	shalt  }
.Lfunc_end2:
_tile_overlayer_lowered:
.L_overlay_start_2:
0x47: {  	(tag) =	ssettag $0x2  }
0x48: {  	s0 =	rddreg [dreg:$0x0];
	s2 =	stileid.u32  }
0x49: {  	s1 =	rddreg [dreg:$0x1];
	p0 =	sne.s32 s2, $0x0  }
0x4a: {  	s3 =	rddreg [dreg:$0x2];
	[bflag:$0x3] =	sbarrier.arrive $0xFFFF;
	s2 =	simm.s32 @!p0 $0x1C02  }
0x4b: {  	[timem:s3], [sflag:s2] =	dma.local @!p0 [hbm:s0], s1  }
0x4c: {  	s0 =	simm.s32 @!p0 $0x2  }
0x4d: {  	_ =	swait.ge @!p0 [sflag:s0], s1  }
0x4e: {  	s1 =	ssub.s32 @!p0 $0x0, s1;
	[sflag:s0] =	ssyncset.done @!p0 $0x0  }
0x4f: {  	[sflag:s0] =	ssyncadd.s32 @!p0 s1  }
0x50: {  	[bflag:$0x3] =	sbarrier.arrive $0xFFFF  }
0x51: {  	_ =	shalt  }

</sc_bundles>
